<compile_context>
chip_gen: v7x
topology: tpu7x:2x2x1
jax: 0.10.2.dev20260603
libtpu: 0.0.44.dev20260713+nightly
codegen_flags: <defaults>
</compile_context>

<pallas_src>
import functools

import jax
import jax.numpy as jnp
from jax import lax
from jax.experimental import pallas as pl
from jax.experimental.pallas import tpu as pltpu
from jax.experimental.pallas import tpu_sc as plsc

C = 1.0
EPS = 1e-6

NC = 2
NS = 16
NW = NC * NS
B_EDGE = 80


def _col_mask(shape):
    return lax.broadcasted_iota(jnp.int32, shape, 1) == 0


def _arccosh(z):
    return jnp.log(z + jnp.sqrt(z * z - 1.0))


def _logmap0_point(x, is0):
    y = jnp.where(is0, 0.0, x)
    x0 = jnp.sum(jnp.where(is0, x, 0.0), axis=1, keepdims=True)
    yn = jnp.sqrt(jnp.sum(y * y, axis=1, keepdims=True) + EPS)
    th = _arccosh(jnp.maximum(x0, 1.0 + EPS))
    return th * y / yn


def _exp_proj_log(t):
    tn = jnp.sqrt(jnp.sum(t * t, axis=1, keepdims=True) + EPS)
    e = jnp.exp(tn)
    einv = 1.0 / e
    sinh = 0.5 * (e - einv)
    resr = sinh * t / tn
    rs = jnp.sum(resr * resr, axis=1, keepdims=True)
    x0 = jnp.sqrt(1.0 + rs)
    yn = jnp.sqrt(rs + EPS)
    th = _arccosh(jnp.maximum(x0, 1.0 + EPS))
    return th * resr / yn


def _dense1_body(x_ref, w_ref, b_ref, o_ref):
    x = x_ref[...]
    is0 = _col_mask(x.shape)
    u = _logmap0_point(x, is0)
    mu = jnp.dot(u, w_ref[...], preferred_element_type=jnp.float32) + b_ref[...]
    mu = jnp.where(is0, 0.0, mu)
    o_ref[...] = _exp_proj_log(mu)


def _deg_scale(d0, d1):
    isc0 = _col_mask(d0.shape)
    deg = jnp.sum(jnp.where(isc0, d0 + d1, 0.0), axis=1, keepdims=True)
    return 1.0 / jnp.maximum(deg, 1.0)


def _dense2_body(p0_ref, p1_ref, d0_ref, d1_ref, w_ref, b_ref, o_ref):
    agg = p0_ref[...] + p1_ref[...]
    scale = _deg_scale(d0_ref[...], d1_ref[...])
    is0 = _col_mask(agg.shape)
    t = jnp.where(is0, 0.0, agg * scale)
    t = _exp_proj_log(t)
    t = jnp.where(is0, 0.0, jnp.maximum(t, 0.0))
    t = _exp_proj_log(t)
    mu = jnp.dot(t, w_ref[...], preferred_element_type=jnp.float32) + b_ref[...]
    mu = jnp.where(is0, 0.0, mu)
    o_ref[...] = _exp_proj_log(mu)


def _dense3_body(p0_ref, p1_ref, d0_ref, d1_ref, o_ref):
    agg = p0_ref[...] + p1_ref[...]
    scale = _deg_scale(d0_ref[...], d1_ref[...])
    is0 = _col_mask(agg.shape)
    t = jnp.where(is0, 0.0, agg * scale)
    t = _exp_proj_log(t)
    m = jnp.max(t, axis=1, keepdims=True)
    lse = jnp.log(jnp.sum(jnp.exp(t - m), axis=1, keepdims=True))
    o_ref[...] = t - m - lse


def _row_spec(rb):
    return pl.BlockSpec((rb, 128), lambda i: (i, 0))


def _fixed_spec(shape):
    return pl.BlockSpec(shape, lambda i: (0, 0))


def _dense1(x, w1t, b1, rb):
    n = x.shape[0]
    return pl.pallas_call(
        _dense1_body,
        grid=(n // rb,),
        in_specs=[_row_spec(rb), _fixed_spec((128, 128)), _fixed_spec((1, 128))],
        out_specs=_row_spec(rb),
        out_shape=jax.ShapeDtypeStruct((n, 128), jnp.float32),
    )(x, w1t, b1)


def _dense2(p0, p1, d0, d1, w2t, b2, rb, n):
    dspec = pl.BlockSpec((rb, 16), lambda i: (i, 0))
    return pl.pallas_call(
        _dense2_body,
        grid=(n // rb,),
        in_specs=[_row_spec(rb), _row_spec(rb), dspec, dspec,
                  _fixed_spec((128, 128)), _fixed_spec((1, 128))],
        out_specs=_row_spec(rb),
        out_shape=jax.ShapeDtypeStruct((n, 128), jnp.float32),
    )(p0, p1, d0, d1, w2t, b2)


def _dense3(p0, p1, d0, d1, rb, n):
    dspec = pl.BlockSpec((rb, 16), lambda i: (i, 0))
    return pl.pallas_call(
        _dense3_body,
        grid=(n // rb,),
        in_specs=[_row_spec(rb), _row_spec(rb), dspec, dspec],
        out_specs=_row_spec(rb),
        out_shape=jax.ShapeDtypeStruct((n, 128), jnp.float32),
    )(p0, p1, d0, d1)


def _npad(n):
    return ((n + NS * 8 - 1) // (NS * 8)) * NS * 8


@functools.partial(jax.jit, static_argnames=("n", "d", "e"))
def _segsum(src2, dst2, ht, *, n, d, e):
    nch = e // NW // B_EDGE
    epw = nch * B_EDGE
    npad = _npad(n)
    rpt = npad // NS
    mesh = plsc.VectorSubcoreMesh(core_axis_name="c", subcore_axis_name="s")

    out_type = [jax.ShapeDtypeStruct((NC, npad, d), jnp.float32)]
    scratch = [
        pltpu.VMEM((epw,), jnp.int32),
        pltpu.VMEM((epw,), jnp.int32),
        pltpu.VMEM((B_EDGE,), jnp.int32),
        pltpu.VMEM((B_EDGE,), jnp.int32),
        pltpu.VMEM((B_EDGE, d), jnp.float32),
        pltpu.VMEM((B_EDGE, d), jnp.float32),
        pltpu.VMEM((64, d), jnp.float32),
        pltpu.VMEM_SHARED((npad, d), jnp.float32),
        pltpu.SemaphoreType.DMA,
        pltpu.SemaphoreType.DMA,
    ]

    def body(src_hbm, dst_hbm, ht_hbm, out_hbm, sidx, didx, gidx0, gidx1,
             rows0, rows1, zrow, acc, sem0, sem1):
        c = lax.axis_index("c")
        s = lax.axis_index("s")
        wid = c * NS + s

        zero16 = jnp.zeros((16,), jnp.float32)

        def zfill(i, carry):
            for j in range(d // 16):
                zrow[i, pl.ds(j * 16, 16)] = zero16
            return carry
        lax.fori_loop(0, 64, zfill, 0)

        base = s * rpt
        nfull, tail = rpt // 64, rpt % 64
        for k in range(nfull):
            pltpu.sync_copy(zrow, acc.at[pl.ds(base + k * 64, 64)])
        if tail:
            pltpu.sync_copy(zrow.at[pl.ds(0, tail)],
                            acc.at[pl.ds(base + nfull * 64, tail)])
        plsc.subcore_barrier()

        pltpu.sync_copy(src_hbm.at[wid], sidx)
        pltpu.sync_copy(dst_hbm.at[wid], didx)

        def fire(ck, rows, sem):
            pltpu.async_copy(ht_hbm.at[sidx.at[pl.ds(ck * B_EDGE, B_EDGE)]],
                             rows, sem)

        def wait(rows, sem):
            pltpu.make_async_copy(ht_hbm.at[pl.ds(0, B_EDGE)], rows,
                                  sem).wait()

        def scat(ck, rows, gidx):
            eb = ck * B_EDGE
            for j in range(B_EDGE // 16):
                gidx[pl.ds(j * 16, 16)] = didx[pl.ds(eb + j * 16, 16)]
            pltpu.sync_copy(rows, acc.at[gidx], add=True)

        fire(0, rows0, sem0)

        def eloop(k, carry):
            c0 = 2 * k
            fire(c0 + 1, rows1, sem1)
            wait(rows0, sem0)
            scat(c0, rows0, gidx0)
            fire(c0 + 2, rows0, sem0)
            wait(rows1, sem1)
            scat(c0 + 1, rows1, gidx1)
            return carry
        lax.fori_loop(0, (nch - 1) // 2, eloop, 0)
        wait(rows0, sem0)
        scat(nch - 1, rows0, gidx0)
        plsc.subcore_barrier()

        pltpu.sync_copy(acc.at[pl.ds(base, rpt)],
                        out_hbm.at[c, pl.ds(base, rpt)])

    run = pl.kernel(body, out_type=out_type, mesh=mesh, scratch_types=scratch)
    return run(src2, dst2, ht)


@functools.partial(jax.jit, static_argnames=("n", "e"))
def _degree(dst3, *, n, e):
    nch = e // NW // B_EDGE
    npad = _npad(n)
    rpt = npad // NS
    zr = 128
    mesh = plsc.VectorSubcoreMesh(core_axis_name="c", subcore_axis_name="s")

    out_type = [jax.ShapeDtypeStruct((NC, npad, 16), jnp.float32)]
    scratch = [
        pltpu.VMEM((nch, B_EDGE), jnp.int32),
        pltpu.VMEM((B_EDGE, 16), jnp.float32),
        pltpu.VMEM((zr, 16), jnp.float32),
        pltpu.VMEM_SHARED((npad, 16), jnp.float32),
    ]

    def body(dst_hbm, deg_hbm, didx, ones, zdeg, dacc):
        c = lax.axis_index("c")
        s = lax.axis_index("s")
        wid = s * NC + c

        zero16 = jnp.zeros((16,), jnp.float32)
        one16 = jnp.ones((16,), jnp.float32)

        def zfill(i, carry):
            zdeg[i, pl.ds(0, 16)] = zero16
            return carry
        lax.fori_loop(0, zr, zfill, 0)

        def ofill(i, carry):
            ones[i, pl.ds(0, 16)] = one16
            return carry
        lax.fori_loop(0, B_EDGE, ofill, 0)

        base = s * rpt
        for k in range(rpt // zr):
            pltpu.sync_copy(zdeg, dacc.at[pl.ds(base + k * zr, zr)])
        plsc.subcore_barrier()

        pltpu.sync_copy(dst_hbm.at[wid], didx)

        def eloop(i, carry):
            pltpu.sync_copy(ones, dacc.at[didx.at[i]], add=True)
            return carry
        lax.fori_loop(0, nch, eloop, 0)
        plsc.subcore_barrier()

        pltpu.sync_copy(dacc.at[pl.ds(base, rpt)],
                        deg_hbm.at[c, pl.ds(base, rpt)])

    run = pl.kernel(body, out_type=out_type, mesh=mesh, scratch_types=scratch)
    return run(dst3)


def kernel(x, edge_index, W1, b1, W2, b2):
    n, d = x.shape
    e = edge_index.shape[1]
    rb = 2000

    src2 = edge_index[0].reshape(NW, e // NW)
    dst2 = edge_index[1].reshape(NW, e // NW)
    dst3d = edge_index[1].reshape(NW, e // NW // B_EDGE, B_EDGE)

    ht1 = _dense1(x, W1.T, b1.reshape(1, -1), rb)
    (degp,) = _degree(dst3d, n=n, e=e)
    (p1,) = _segsum(src2, dst2, ht1, n=n, d=d, e=e)
    ht2 = _dense2(p1[0], p1[1], degp[0], degp[1], W2.T, b2.reshape(1, -1),
                  rb, n)
    (p2,) = _segsum(src2, dst2, ht2, n=n, d=d, e=e)
    return _dense3(p2[0], p2[1], degp[0], degp[1], rb, n)

# --- scband reference (transcript-rebuilt; emitter-appended) ---
"""Pipeline reference for scband-hgcn-pyg-31353261261173 (READ-ONLY COPY).

The authoritative reference and input builder live on the scoring server;
editing this copy changes nothing except your own understanding.
"""

import jax, jax.numpy as jnp
import numpy as np

C = 1.0
EPS = 1e-6

def _safe_norm(x):
    return jnp.sqrt(jnp.sum(x * x, axis=-1, keepdims=True) + EPS)

def _proj(x, c):
    K = 1.0 / c
    y = x[..., 1:]
    x0 = jnp.sqrt(K + jnp.sum(y * y, axis=-1, keepdims=True))
    return jnp.concatenate([x0, y], axis=-1)

def _proj_tan0(u, c):
    return jnp.concatenate([jnp.zeros_like(u[..., :1]), u[..., 1:]], axis=-1)

def _expmap0(u, c):
    sqrtK = 1.0 / jnp.sqrt(c)
    x = u[..., 1:]
    x_norm = _safe_norm(x)
    theta = x_norm / sqrtK
    res0 = sqrtK * jnp.cosh(theta)
    resr = sqrtK * jnp.sinh(theta) * x / x_norm
    return _proj(jnp.concatenate([res0, resr], axis=-1), c)

def _logmap0(x, c):
    sqrtK = 1.0 / jnp.sqrt(c)
    y = x[..., 1:]
    y_norm = _safe_norm(y)
    theta = jnp.arccosh(jnp.maximum(x[..., :1] / sqrtK, 1.0 + EPS))
    res = sqrtK * theta * y / y_norm
    return jnp.concatenate([jnp.zeros_like(res[..., :1]), res], axis=-1)

def _hgcn_conv(x, edge_index, W, b, c, n_nodes):
    # HypLinear: mobius matvec (logmap0 -> linear -> expmap0) + tangent bias
    u = _logmap0(x, c)
    mu = u @ W.T + b
    mu = _proj_tan0(mu, c)
    h = _proj(_expmap0(mu, c), c)
    # HypAgg: aggregate neighbors in tangent space at origin (scatter-add, mean-normalized)
    ht = _logmap0(h, c)
    src = edge_index[0]
    dst = edge_index[1]
    msg = jnp.take(ht, src, axis=0)
    agg = jax.ops.segment_sum(msg, dst, num_segments=n_nodes)
    deg = jax.ops.segment_sum(jnp.ones_like(dst, dtype=ht.dtype), dst, num_segments=n_nodes)
    agg = agg / jnp.maximum(deg, 1.0)[:, None]
    agg = _proj_tan0(agg, c)
    return _proj(_expmap0(agg, c), c)

def _hyp_act(x, c):
    xt = jax.nn.relu(_logmap0(x, c))
    xt = _proj_tan0(xt, c)
    return _proj(_expmap0(xt, c), c)

def setup_inputs(seed: int = 0):
    key = jax.random.key(seed)
    k1, k2, k3, k4, k5, k6 = jax.random.split(key, 6)
    N, E, d_in, d_hid, d_out = 10000, 320000, 128, 128, 128
    # build valid hyperboloid points: tangent vector at origin -> expmap0
    x_tan = 0.1 * jax.random.normal(k1, (N, d_in), dtype=jnp.float32)
    x_tan = x_tan.at[:, 0].set(0.0)
    x = _proj(_expmap0(x_tan, C), C)
    edge_index = jax.random.randint(k2, (2, E), 0, N, dtype=jnp.int32)
    W1 = 0.1 * jax.random.normal(k3, (d_hid, d_in), dtype=jnp.float32)
    b1 = 0.01 * jax.random.normal(k4, (d_hid,), dtype=jnp.float32)
    W2 = 0.1 * jax.random.normal(k5, (d_out, d_hid), dtype=jnp.float32)
    b2 = 0.01 * jax.random.normal(k6, (d_out,), dtype=jnp.float32)
    return {"x": x, "edge_index": edge_index, "W1": W1, "b1": b1, "W2": W2, "b2": b2}

def reference(x, edge_index, W1, b1, W2, b2):
    N = x.shape[0]
    h = _hgcn_conv(x, edge_index, W1, b1, C, N)
    h = _hyp_act(h, C)
    h = _hgcn_conv(h, edge_index, W2, b2, C, N)
    ht = _logmap0(h, C)
    ht = _proj_tan0(ht, C)
    # dropout skipped (eval mode / deterministic reference)
    return jax.nn.log_softmax(ht, axis=-1)

if __name__ == "__main__":
    import jax
    _d = setup_inputs()
    print(jax.jit(kernel)(*tuple(_d.values())))

</pallas_src>

<mosaic_0001>
#map = affine_map<(d0, d1) -> (0, 0, 0)>
module attributes {stable_mosaic.version = 14 : i64} {
  func.func @body(%arg0: i32, %arg1: i32, %arg2: memref<32x125x80xi32, #tpu.memory_space<hbm>>, %arg3: memref<2x10112x16xf32, #tpu.memory_space<hbm>>, %arg4: memref<125x80xi32, #tpu.memory_space<vmem>>, %arg5: memref<80x16xf32, #tpu.memory_space<vmem>>, %arg6: memref<128x16xf32, #tpu.memory_space<vmem>>, %arg7: memref<10112x16xf32, #tpu.memory_space<vmem_shared>>) attributes {dimension_semantics = [#tpu.dimension_semantics<core_parallel>, #tpu.dimension_semantics<subcore_parallel>], iteration_bounds = array<i64: 2, 16>, scalar_prefetch = 0 : i64, scratch_operands = 4 : i64, tpu.core_type = #tpu.core_type<sc_vector_subcore>, window_params = [{transform_indices = #map}, {transform_indices = #map}]} {
    %mul3A = arith.constant 2 : i32
    %mul3A_0 = arith.muli %arg1, %mul3A : i32
    %add3A = arith.addi %mul3A_0, %arg0 : i32
    %broadcast_in_dim3A = arith.constant 0.000000e+00 : f32
    %broadcast_in_dim3A_1 = vector.broadcast %broadcast_in_dim3A : f32 to vector<16xf32>
    %broadcast_in_dim3A_2 = arith.constant 1.000000e+00 : f32
    %broadcast_in_dim3A_3 = vector.broadcast %broadcast_in_dim3A_2 : f32 to vector<16xf32>
    %scan3A = arith.constant 0 : i32
    %scan3A_4 = arith.constant 0 : i32
    %scan3A_5 = arith.constant 128 : i32
    %scan3A_6 = arith.addi %scan3A_4, %scan3A_5 : i32
    %scan3A_7 = arith.constant 1 : i32
    scf.for %scan3A_32 = %scan3A_4 to %scan3A_6 step %scan3A_7  : i32 {
      %swap3A = arith.index_cast %scan3A_32 : i32 to index
      %swap3A_33 = arith.constant 0 : index
      %swap3A_34 = tpu.vector_load %arg6[%swap3A, %swap3A_33] {strides = array<i32>} : memref<128x16xf32, #tpu.memory_space<vmem>>, vector<1x16xf32>,
      %swap3A_35 = vector.shape_cast %swap3A_34 : vector<1x16xf32> to vector<16xf32>
      %swap3A_36 = vector.shape_cast %broadcast_in_dim3A_1 : vector<16xf32> to vector<1x16xf32>
      tpu.vector_store %arg6[%swap3A, %swap3A_33], %swap3A_36 {strides = array<i32>} : memref<128x16xf32, #tpu.memory_space<vmem>>, vector<1x16xf32>,
    }
    %scan3A_8 = arith.constant 128 : i32
    %scan3A_9 = arith.constant 0 : i32
    %scan3A_10 = arith.constant 0 : i32
    %scan3A_11 = arith.constant 80 : i32
    %scan3A_12 = arith.addi %scan3A_10, %scan3A_11 : i32
    %scan3A_13 = arith.constant 1 : i32
    scf.for %scan3A_32 = %scan3A_10 to %scan3A_12 step %scan3A_13  : i32 {
      %swap3A = arith.index_cast %scan3A_32 : i32 to index
      %swap3A_33 = arith.constant 0 : index
      %swap3A_34 = tpu.vector_load %arg5[%swap3A, %swap3A_33] {strides = array<i32>} : memref<80x16xf32, #tpu.memory_space<vmem>>, vector<1x16xf32>,
      %swap3A_35 = vector.shape_cast %swap3A_34 : vector<1x16xf32> to vector<16xf32>
      %swap3A_36 = vector.shape_cast %broadcast_in_dim3A_3 : vector<16xf32> to vector<1x16xf32>
      tpu.vector_store %arg5[%swap3A, %swap3A_33], %swap3A_36 {strides = array<i32>} : memref<80x16xf32, #tpu.memory_space<vmem>>, vector<1x16xf32>,
    }
    %scan3A_14 = arith.constant 80 : i32
    %mul3A_15 = arith.constant 632 : i32
    %mul3A_16 = arith.muli %arg1, %mul3A_15 : i32
    %add3A_17 = arith.constant 0 : i32
    %add3A_18 = arith.addi %mul3A_16, %add3A_17 : i32
    "tpu.region"() ({
      %run_scoped3A = tpu.sem_alloc : memref<!tpu.dma_semaphore, #tpu.memory_space<semaphore_mem>>
      %dma_start3A = arith.constant 0 : i32
      %dma_start3A_32 = tpu.memref_slice %arg7[%add3A_18, %dma_start3A] : memref<10112x16xf32, #tpu.memory_space<vmem_shared>> -> memref<128x16xf32, #tpu.memory_space<vmem_shared>>
      %dma_start3A_33 = arith.constant 0 : i32
      %dma_start3A_34 = tpu.memref_slice %arg7[%add3A_18, %dma_start3A_33] : memref<10112x16xf32, #tpu.memory_space<vmem_shared>> -> memref<128x16xf32, #tpu.memory_space<vmem_shared>>
      tpu.enqueue_dma source(%arg6 : memref<128x16xf32, #tpu.memory_space<vmem>>) target(%dma_start3A_34 : memref<128x16xf32, #tpu.memory_space<vmem_shared>>) target_semaphore(%run_scoped3A : memref<!tpu.dma_semaphore, #tpu.memory_space<semaphore_mem>>)
      %dma_wait3A = arith.constant 0 : i32
      %dma_wait3A_35 = tpu.memref_slice %arg7[%add3A_18, %dma_wait3A] : memref<10112x16xf32, #tpu.memory_space<vmem_shared>> -> memref<128x16xf32, #tpu.memory_space<vmem_shared>>
      %dma_wait3A_36 = arith.constant 0 : i32
      %dma_wait3A_37 = tpu.memref_slice %arg7[%add3A_18, %dma_wait3A_36] : memref<10112x16xf32, #tpu.memory_space<vmem_shared>> -> memref<128x16xf32, #tpu.memory_space<vmem_shared>>
      tpu.wait_dma2 semaphore(%run_scoped3A : memref<!tpu.dma_semaphore, #tpu.memory_space<semaphore_mem>>) src(%arg6 : memref<128x16xf32, #tpu.memory_space<vmem>>) dst(%dma_wait3A_37 : memref<128x16xf32, #tpu.memory_space<vmem_shared>>)
      tpu.yield
    }) : () -> ()
    %add3A_19 = arith.constant 128 : i32
    %add3A_20 = arith.addi %mul3A_16, %add3A_19 : i32
    "tpu.region"() ({
      %run_scoped3A = tpu.sem_alloc : memref<!tpu.dma_semaphore, #tpu.memory_space<semaphore_mem>>
      %dma_start3A = arith.constant 0 : i32
      %dma_start3A_32 = tpu.memref_slice %arg7[%add3A_20, %dma_start3A] : memref<10112x16xf32, #tpu.memory_space<vmem_shared>> -> memref<128x16xf32, #tpu.memory_space<vmem_shared>>
      %dma_start3A_33 = arith.constant 0 : i32
      %dma_start3A_34 = tpu.memref_slice %arg7[%add3A_20, %dma_start3A_33] : memref<10112x16xf32, #tpu.memory_space<vmem_shared>> -> memref<128x16xf32, #tpu.memory_space<vmem_shared>>
      tpu.enqueue_dma source(%arg6 : memref<128x16xf32, #tpu.memory_space<vmem>>) target(%dma_start3A_34 : memref<128x16xf32, #tpu.memory_space<vmem_shared>>) target_semaphore(%run_scoped3A : memref<!tpu.dma_semaphore, #tpu.memory_space<semaphore_mem>>)
      %dma_wait3A = arith.constant 0 : i32
      %dma_wait3A_35 = tpu.memref_slice %arg7[%add3A_20, %dma_wait3A] : memref<10112x16xf32, #tpu.memory_space<vmem_shared>> -> memref<128x16xf32, #tpu.memory_space<vmem_shared>>
      %dma_wait3A_36 = arith.constant 0 : i32
      %dma_wait3A_37 = tpu.memref_slice %arg7[%add3A_20, %dma_wait3A_36] : memref<10112x16xf32, #tpu.memory_space<vmem_shared>> -> memref<128x16xf32, #tpu.memory_space<vmem_shared>>
      tpu.wait_dma2 semaphore(%run_scoped3A : memref<!tpu.dma_semaphore, #tpu.memory_space<semaphore_mem>>) src(%arg6 : memref<128x16xf32, #tpu.memory_space<vmem>>) dst(%dma_wait3A_37 : memref<128x16xf32, #tpu.memory_space<vmem_shared>>)
      tpu.yield
    }) : () -> ()
    %add3A_21 = arith.constant 256 : i32
    %add3A_22 = arith.addi %mul3A_16, %add3A_21 : i32
    "tpu.region"() ({
      %run_scoped3A = tpu.sem_alloc : memref<!tpu.dma_semaphore, #tpu.memory_space<semaphore_mem>>
      %dma_start3A = arith.constant 0 : i32
      %dma_start3A_32 = tpu.memref_slice %arg7[%add3A_22, %dma_start3A] : memref<10112x16xf32, #tpu.memory_space<vmem_shared>> -> memref<128x16xf32, #tpu.memory_space<vmem_shared>>
      %dma_start3A_33 = arith.constant 0 : i32
      %dma_start3A_34 = tpu.memref_slice %arg7[%add3A_22, %dma_start3A_33] : memref<10112x16xf32, #tpu.memory_space<vmem_shared>> -> memref<128x16xf32, #tpu.memory_space<vmem_shared>>
      tpu.enqueue_dma source(%arg6 : memref<128x16xf32, #tpu.memory_space<vmem>>) target(%dma_start3A_34 : memref<128x16xf32, #tpu.memory_space<vmem_shared>>) target_semaphore(%run_scoped3A : memref<!tpu.dma_semaphore, #tpu.memory_space<semaphore_mem>>)
      %dma_wait3A = arith.constant 0 : i32
      %dma_wait3A_35 = tpu.memref_slice %arg7[%add3A_22, %dma_wait3A] : memref<10112x16xf32, #tpu.memory_space<vmem_shared>> -> memref<128x16xf32, #tpu.memory_space<vmem_shared>>
      %dma_wait3A_36 = arith.constant 0 : i32
      %dma_wait3A_37 = tpu.memref_slice %arg7[%add3A_22, %dma_wait3A_36] : memref<10112x16xf32, #tpu.memory_space<vmem_shared>> -> memref<128x16xf32, #tpu.memory_space<vmem_shared>>
      tpu.wait_dma2 semaphore(%run_scoped3A : memref<!tpu.dma_semaphore, #tpu.memory_space<semaphore_mem>>) src(%arg6 : memref<128x16xf32, #tpu.memory_space<vmem>>) dst(%dma_wait3A_37 : memref<128x16xf32, #tpu.memory_space<vmem_shared>>)
      tpu.yield
    }) : () -> ()
    %add3A_23 = arith.constant 384 : i32
    %add3A_24 = arith.addi %mul3A_16, %add3A_23 : i32
    "tpu.region"() ({
      %run_scoped3A = tpu.sem_alloc : memref<!tpu.dma_semaphore, #tpu.memory_space<semaphore_mem>>
      %dma_start3A = arith.constant 0 : i32
      %dma_start3A_32 = tpu.memref_slice %arg7[%add3A_24, %dma_start3A] : memref<10112x16xf32, #tpu.memory_space<vmem_shared>> -> memref<128x16xf32, #tpu.memory_space<vmem_shared>>
      %dma_start3A_33 = arith.constant 0 : i32
      %dma_start3A_34 = tpu.memref_slice %arg7[%add3A_24, %dma_start3A_33] : memref<10112x16xf32, #tpu.memory_space<vmem_shared>> -> memref<128x16xf32, #tpu.memory_space<vmem_shared>>
      tpu.enqueue_dma source(%arg6 : memref<128x16xf32, #tpu.memory_space<vmem>>) target(%dma_start3A_34 : memref<128x16xf32, #tpu.memory_space<vmem_shared>>) target_semaphore(%run_scoped3A : memref<!tpu.dma_semaphore, #tpu.memory_space<semaphore_mem>>)
      %dma_wait3A = arith.constant 0 : i32
      %dma_wait3A_35 = tpu.memref_slice %arg7[%add3A_24, %dma_wait3A] : memref<10112x16xf32, #tpu.memory_space<vmem_shared>> -> memref<128x16xf32, #tpu.memory_space<vmem_shared>>
      %dma_wait3A_36 = arith.constant 0 : i32
      %dma_wait3A_37 = tpu.memref_slice %arg7[%add3A_24, %dma_wait3A_36] : memref<10112x16xf32, #tpu.memory_space<vmem_shared>> -> memref<128x16xf32, #tpu.memory_space<vmem_shared>>
      tpu.wait_dma2 semaphore(%run_scoped3A : memref<!tpu.dma_semaphore, #tpu.memory_space<semaphore_mem>>) src(%arg6 : memref<128x16xf32, #tpu.memory_space<vmem>>) dst(%dma_wait3A_37 : memref<128x16xf32, #tpu.memory_space<vmem_shared>>)
      tpu.yield
    }) : () -> ()
    %barrier3A = arith.constant 0 : index
    tpu.barrier barrier_id(%barrier3A)
    "tpu.region"() ({
      %run_scoped3A = tpu.sem_alloc : memref<!tpu.dma_semaphore, #tpu.memory_space<semaphore_mem>>
      %dma_start3A = arith.constant 0 : i32
      %dma_start3A_32 = arith.constant 0 : i32
      %dma_start3A_33 = tpu.memref_slice %arg2[%add3A, %dma_start3A, %dma_start3A_32] : memref<32x125x80xi32, #tpu.memory_space<hbm>> -> memref<1x125x80xi32, #tpu.memory_space<hbm>>
      %dma_start3A_34 = tpu.memref_squeeze %dma_start3A_33 : memref<1x125x80xi32, #tpu.memory_space<hbm>> -> memref<125x80xi32, #tpu.memory_space<hbm>>
      %dma_start3A_35 = arith.constant 0 : i32
      %dma_start3A_36 = arith.constant 0 : i32
      %dma_start3A_37 = tpu.memref_slice %arg2[%add3A, %dma_start3A_35, %dma_start3A_36] : memref<32x125x80xi32, #tpu.memory_space<hbm>> -> memref<1x125x80xi32, #tpu.memory_space<hbm>>
      %dma_start3A_38 = tpu.memref_squeeze %dma_start3A_37 : memref<1x125x80xi32, #tpu.memory_space<hbm>> -> memref<125x80xi32, #tpu.memory_space<hbm>>
      tpu.enqueue_dma source(%dma_start3A_38 : memref<125x80xi32, #tpu.memory_space<hbm>>) target(%arg4 : memref<125x80xi32, #tpu.memory_space<vmem>>) target_semaphore(%run_scoped3A : memref<!tpu.dma_semaphore, #tpu.memory_space<semaphore_mem>>)
      %dma_wait3A = arith.constant 0 : i32
      %dma_wait3A_39 = arith.constant 0 : i32
      %dma_wait3A_40 = tpu.memref_slice %arg2[%add3A, %dma_wait3A, %dma_wait3A_39] : memref<32x125x80xi32, #tpu.memory_space<hbm>> -> memref<1x125x80xi32, #tpu.memory_space<hbm>>
      %dma_wait3A_41 = tpu.memref_squeeze %dma_wait3A_40 : memref<1x125x80xi32, #tpu.memory_space<hbm>> -> memref<125x80xi32, #tpu.memory_space<hbm>>
      %dma_wait3A_42 = arith.constant 0 : i32
      %dma_wait3A_43 = arith.constant 0 : i32
      %dma_wait3A_44 = tpu.memref_slice %arg2[%add3A, %dma_wait3A_42, %dma_wait3A_43] : memref<32x125x80xi32, #tpu.memory_space<hbm>> -> memref<1x125x80xi32, #tpu.memory_space<hbm>>
      %dma_wait3A_45 = tpu.memref_squeeze %dma_wait3A_44 : memref<1x125x80xi32, #tpu.memory_space<hbm>> -> memref<125x80xi32, #tpu.memory_space<hbm>>
      tpu.wait_dma2 semaphore(%run_scoped3A : memref<!tpu.dma_semaphore, #tpu.memory_space<semaphore_mem>>) src(%dma_wait3A_45 : memref<125x80xi32, #tpu.memory_space<hbm>>) dst(%arg4 : memref<125x80xi32, #tpu.memory_space<vmem>>)
      tpu.yield
    }) : () -> ()
    %scan3A_25 = arith.constant 0 : i32
    %scan3A_26 = arith.constant 0 : i32
    %scan3A_27 = arith.constant 125 : i32
    %scan3A_28 = arith.addi %scan3A_26, %scan3A_27 : i32
    %scan3A_29 = arith.constant 1 : i32
    scf.for %scan3A_32 = %scan3A_26 to %scan3A_28 step %scan3A_29  : i32 {
      "tpu.region"() ({
        %run_scoped3A = tpu.sem_alloc : memref<!tpu.dma_semaphore, #tpu.memory_space<semaphore_mem>>
        %dma_start3A = arith.constant 0 : i32
        %dma_start3A_33 = tpu.memref_slice %arg4[%scan3A_32, %dma_start3A] : memref<125x80xi32, #tpu.memory_space<vmem>> -> memref<1x80xi32, #tpu.memory_space<vmem>>
        %dma_start3A_34 = tpu.memref_squeeze %dma_start3A_33 : memref<1x80xi32, #tpu.memory_space<vmem>> -> memref<80xi32, #tpu.memory_space<vmem>>
        %dma_start3A_35 = arith.constant 0 : i32
        %dma_start3A_36 = arith.constant 0 : i32
        %dma_start3A_37 = tpu.memref_slice %arg7[%dma_start3A_35, %dma_start3A_36] : memref<10112x16xf32, #tpu.memory_space<vmem_shared>> -> memref<10112x16xf32, #tpu.memory_space<vmem_shared>>
        tpu.enqueue_indirect_dma source(%arg5 : memref<80x16xf32, #tpu.memory_space<vmem>>) target(%dma_start3A_37 : memref<10112x16xf32, #tpu.memory_space<vmem_shared>>) offsets(%dma_start3A_34 : memref<80xi32, #tpu.memory_space<vmem>>) semaphore(%run_scoped3A : memref<!tpu.dma_semaphore, #tpu.memory_space<semaphore_mem>>) {add = true}
        %dma_wait3A = arith.constant 0 : i32
        %dma_wait3A_38 = tpu.memref_slice %arg4[%scan3A_32, %dma_wait3A] : memref<125x80xi32, #tpu.memory_space<vmem>> -> memref<1x80xi32, #tpu.memory_space<vmem>>
        %dma_wait3A_39 = tpu.memref_squeeze %dma_wait3A_38 : memref<1x80xi32, #tpu.memory_space<vmem>> -> memref<80xi32, #tpu.memory_space<vmem>>
        %dma_wait3A_40 = arith.constant 0 : i32
        %dma_wait3A_41 = arith.constant 0 : i32
        %dma_wait3A_42 = tpu.memref_slice %arg7[%dma_wait3A_40, %dma_wait3A_41] : memref<10112x16xf32, #tpu.memory_space<vmem_shared>> -> memref<10112x16xf32, #tpu.memory_space<vmem_shared>>
        tpu.wait_indirect_dma semaphore(%run_scoped3A : memref<!tpu.dma_semaphore, #tpu.memory_space<semaphore_mem>>) src(%arg5 : memref<80x16xf32, #tpu.memory_space<vmem>>) dst(%dma_wait3A_42 : memref<10112x16xf32, #tpu.memory_space<vmem_shared>>)
        tpu.yield
      }) : () -> ()
    }
    %scan3A_30 = arith.constant 125 : i32
    %barrier3A_31 = arith.constant 0 : index
    tpu.barrier barrier_id(%barrier3A_31)
    "tpu.region"() ({
      %run_scoped3A = tpu.sem_alloc : memref<!tpu.dma_semaphore, #tpu.memory_space<semaphore_mem>>
      %dma_start3A = arith.constant 0 : i32
      %dma_start3A_32 = tpu.memref_slice %arg3[%arg0, %mul3A_16, %dma_start3A] : memref<2x10112x16xf32, #tpu.memory_space<hbm>> -> memref<1x632x16xf32, #tpu.memory_space<hbm>>
      %dma_start3A_33 = tpu.memref_squeeze %dma_start3A_32 : memref<1x632x16xf32, #tpu.memory_space<hbm>> -> memref<632x16xf32, #tpu.memory_space<hbm>>
      %dma_start3A_34 = arith.constant 0 : i32
      %dma_start3A_35 = tpu.memref_slice %arg7[%mul3A_16, %dma_start3A_34] : memref<10112x16xf32, #tpu.memory_space<vmem_shared>> -> memref<632x16xf32, #tpu.memory_space<vmem_shared>>
      tpu.enqueue_dma source(%dma_start3A_35 : memref<632x16xf32, #tpu.memory_space<vmem_shared>>) target(%dma_start3A_33 : memref<632x16xf32, #tpu.memory_space<hbm>>) target_semaphore(%run_scoped3A : memref<!tpu.dma_semaphore, #tpu.memory_space<semaphore_mem>>)
      %dma_wait3A = arith.constant 0 : i32
      %dma_wait3A_36 = tpu.memref_slice %arg3[%arg0, %mul3A_16, %dma_wait3A] : memref<2x10112x16xf32, #tpu.memory_space<hbm>> -> memref<1x632x16xf32, #tpu.memory_space<hbm>>
      %dma_wait3A_37 = tpu.memref_squeeze %dma_wait3A_36 : memref<1x632x16xf32, #tpu.memory_space<hbm>> -> memref<632x16xf32, #tpu.memory_space<hbm>>
      %dma_wait3A_38 = arith.constant 0 : i32
      %dma_wait3A_39 = tpu.memref_slice %arg7[%mul3A_16, %dma_wait3A_38] : memref<10112x16xf32, #tpu.memory_space<vmem_shared>> -> memref<632x16xf32, #tpu.memory_space<vmem_shared>>
      tpu.wait_dma2 semaphore(%run_scoped3A : memref<!tpu.dma_semaphore, #tpu.memory_space<semaphore_mem>>) src(%dma_wait3A_39 : memref<632x16xf32, #tpu.memory_space<vmem_shared>>) dst(%dma_wait3A_37 : memref<632x16xf32, #tpu.memory_space<hbm>>)
      tpu.yield
    }) : () -> ()
    return
  }
}

</mosaic_0001>

<sc_bundles>
// kernel: _degree.3.cloned.1.call-start
scs
__scs_entry_jumppad:
0x0: {  	(pc) =	sbr.rel $0x88, $3  }
0x1: {  	(tag) =	ssettag $0x0;
	lr =	simm.s32 $0x1  }
0x2: {  	[smem:$0x3FA0] =	sst lr;
	_ =	strace $0xD0000000  }
0x3: {  	_ = 	snop  }
0x4: {  	_ = 	snop  }
0x5: {  	_ = 	snop  }
0x6: {  	_ = 	snop  }
0x7: {  	_ = 	snop  }
__scs_overlays_trampoline_lowered:
0x8: {  	[smem:$0x3FAF] =	sst s0  }
0x9: {  	[smem:$0x3FB0] =	sst s1  }
0xa: {  	[smem:$0x3FB1] =	sst s2  }
0xb: {  	[smem:$0x3FB2] =	sst s3  }
0xc: {  	[smem:$0x3FB3] =	sst s4  }
0xd: {  	[smem:$0x3FB4] =	sst s5  }
0xe: {  	[smem:$0x3FB5] =	sst s6  }
0xf: {  	[smem:$0x3FB6] =	sst s7  }
0x10: {  	[smem:$0x3FB7] =	sst s8  }
0x11: {  	[smem:$0x3FB8] =	sst s9;
	s0 =	simm.s32 @!p0 $0x0  }
0x12: {  	s1 =	sld [smem:$0x3F9E];
	s0 =	simm.s32 @p0 $0x1  }
0x13: {  	[smem:$0x3FB9] =	sst s0;
	s0 =	simm.s32 @!p1 $0x0  }
0x14: {  	s2 =	sld [smem:$0x3F9D];
	s0 =	simm.s32 @p1 $0x1  }
0x15: {  	[smem:$0x3FBA] =	sst s0;
	s0 =	simm.s32 @!p2 $0x0  }
0x16: {  	s3 =	sld [smem:$0x3FDB];
	s0 =	simm.s32 @p2 $0x1  }
0x17: {  	s4 =	simm.s32 $0x1BF5;
	[smem:$0x3FBC] =	sst s0  }
0x18: {  	s0 =	sld [smem:$0x3F9F];
	_ =	swait.ge [sflag:s4], $0x0  }
0x19: {  	s7 =	sld [smem:$0x3FA0]  }
0x1a: {  	s8 =	sadd.s32 $0xFFFFE003, lr  }
0x1b: {  	s9 =	sadd.s32 $0xFFFFFEF7, lr;
	s5 =	simm.s32 $0xFFFFFFFF;
	p2 =	slt.u32 s8, $0xFFFFF086  }
0x1c: {  	p1 =	slt.u32 s9, $0xF7A;
	s5 =	simm.s32 @!p2 $0x0  }
0x1d: {  	s5 =	simm.s32 @p1 $0x1;
	p0 =	seq.s32 s7, s2  }
0x1e: {  	s7 =	smul.u32 @!p0 $0xF7A, s2;
	p2 =	seq.s32 @!p0 s5, $0x0  }
0x1f: {  	s9 =	smul.u32 $0xF7A, s1;
	s8 =	simm.s32 @!p0 $0x1BF5;
	p2 =	por !p2, p0  }
0x20: {  	[sflag:s8] =	ssyncset.s32 @!p0 $0xFFFFF086;
	s6 =	sadd.s32 @!p0 s3, s7;
	s7 =	simm.s32 @!p0 $0x108  }
0x21: {  	s3 =	sadd.s32 s3, s9;
	s6 =	sadd.s32 @!p0 $0x88, s6;
	s7 =	simm.s32 @p2 $0x1082  }
0x22: {  	[simem:s7], [sflag:s8] =	dma.local @!p0 [hbm:s6], $0xF7A  }
0x23: {  	s9 =	sor.u32 $0xD0000000, s2;
	s6 =	simm.s32 $0x108;
	_ =	swait.ge @!p0 [sflag:s8], $0x0  }
0x24: {  	s3 =	sadd.s32 $0x88, s3;
	s6 =	simm.s32 @!p1 $0x1082;
	[sflag:s4] =	ssyncset.s32 $0xFFFFF086  }
0x25: {  	[simem:s6], [sflag:s4] =	dma.local [hbm:s3], $0xF7A  }
0x26: {  	[smem:$0x3FA0] =	sst s1;
	(tag) =	ssettag s2;
	_ =	strace s9  }
0x27: {  	s1 =	sld [smem:$0x3FB0]  }
0x28: {  	s2 =	sld [smem:$0x3FB1]  }
0x29: {  	s4 =	sld [smem:$0x3FB3]  }
0x2a: {  	p0 =	seq.s32 s5, $0x0;
	s5 =	sld [smem:$0x3FB4]  }
0x2b: {  	s6 =	sld [smem:$0x3FB5]  }
0x2c: {  	s7 =	sld [smem:$0x3FB6]  }
0x2d: {  	s3 =	simm.s32 $0x108;
	s8 =	sld [smem:$0x3FB7]  }
0x2e: {  	s3 =	simm.s32 @!p0 $0x1082;
	s9 =	sld [smem:$0x3FB8]  }
0x2f: {  	lr =	sadd.s32 s0, s3;
	s0 =	sld [smem:$0x3FAF]  }
0x30: {  	s3 =	sld [smem:$0x3FB2]  }
0x31: {  	[smem:$0x3FBB] =	sst s10  }
0x32: {  	s10 =	sld [smem:$0x3FB9];
	_ =	sdelay $0x3  }
0x33: {  	p0 =	seq.s32 s10, $0x1;
	s10 =	sld [smem:$0x3FBB];
	_ =	sdelay $0x3  }
0x34: {  	[smem:$0x3FBB] =	sst s10  }
0x35: {  	s10 =	sld [smem:$0x3FBA];
	_ =	sdelay $0x3  }
0x36: {  	p1 =	seq.s32 s10, $0x1;
	s10 =	sld [smem:$0x3FBB];
	_ =	sdelay $0x3  }
0x37: {  	[smem:$0x3FBB] =	sst s10  }
0x38: {  	s10 =	sld [smem:$0x3FBC]  }
0x39: {  	_ = 	snop;
	(pc) =	sbr.ind lr, $3  }
0x3a: {  	_ = 	snop  }
0x3b: {  	_ = 	snop  }
0x3c: {  	p2 =	seq.s32 s10, $0x1;
	s10 =	sld [smem:$0x3FBB]  }
0x3d: {  	_ =	shalt  }
0x3e: {  	_ =	shalt  }
0x3f: {  	_ =	shalt  }
0x40: {  	_ =	shalt  }
0x41: {  	_ =	shalt  }
0x42: {  	_ =	shalt  }
0x43: {  	_ =	shalt  }
0x44: {  	_ =	shalt  }
0x45: {  	_ =	shalt  }
0x46: {  	_ =	shalt  }
0x47: {  	_ =	shalt  }
0x48: {  	_ =	shalt  }
0x49: {  	_ =	shalt  }
0x4a: {  	_ =	shalt  }
0x4b: {  	_ =	shalt  }
0x4c: {  	_ =	shalt  }
0x4d: {  	_ =	shalt  }
0x4e: {  	_ =	shalt  }
0x4f: {  	_ =	shalt  }
0x50: {  	_ =	shalt  }
0x51: {  	_ =	shalt  }
0x52: {  	_ =	shalt  }
0x53: {  	_ =	shalt  }
0x54: {  	_ =	shalt  }
0x55: {  	_ =	shalt  }
0x56: {  	_ =	shalt  }
0x57: {  	_ =	shalt  }
0x58: {  	_ =	shalt  }
0x59: {  	_ =	shalt  }
0x5a: {  	_ =	shalt  }
0x5b: {  	_ =	shalt  }
0x5c: {  	_ =	shalt  }
0x5d: {  	_ =	shalt  }
0x5e: {  	_ =	shalt  }
0x5f: {  	_ =	shalt  }
0x60: {  	_ =	shalt  }
0x61: {  	_ =	shalt  }
0x62: {  	_ =	shalt  }
0x63: {  	_ =	shalt  }
0x64: {  	_ =	shalt  }
0x65: {  	_ =	shalt  }
0x66: {  	_ =	shalt  }
0x67: {  	_ =	shalt  }
0x68: {  	_ =	shalt  }
0x69: {  	_ =	shalt  }
0x6a: {  	_ =	shalt  }
0x6b: {  	_ =	shalt  }
0x6c: {  	_ =	shalt  }
0x6d: {  	_ =	shalt  }
0x6e: {  	_ =	shalt  }
0x6f: {  	_ =	shalt  }
0x70: {  	_ =	shalt  }
0x71: {  	_ =	shalt  }
0x72: {  	_ =	shalt  }
0x73: {  	_ =	shalt  }
0x74: {  	_ =	shalt  }
0x75: {  	_ =	shalt  }
0x76: {  	_ =	shalt  }
0x77: {  	_ =	shalt  }
0x78: {  	_ =	shalt  }
0x79: {  	_ =	shalt  }
0x7a: {  	_ =	shalt  }
0x7b: {  	_ =	shalt  }
0x7c: {  	_ =	shalt  }
0x7d: {  	_ =	shalt  }
0x7e: {  	_ =	shalt  }
0x7f: {  	_ =	shalt  }
0x80: {  	_ =	shalt  }
0x81: {  	_ =	shalt  }
0x82: {  	_ =	shalt  }
0x83: {  	_ =	shalt  }
0x84: {  	_ =	shalt  }
0x85: {  	_ =	shalt  }
0x86: {  	_ =	shalt  }
0x87: {  	_ =	shalt  }
.Lfunc_end0:
.L_simem_size_0:
called_computation_lowered:
.L_overlay_start_0:
0x88: {  	s2 =	sld [smem:$0x3FD9]  }
0x89: {  	s3 =	sld [smem:$0x3FFE];
	_ =	sdelay $0x1  }
0x8a: {  	s1 =	srdreg.scid  }
0x8b: {  	s0 =	sand.u32 $0x1, s1  }
0x8c: {  	s16 =	sshll.u32 s0, $0xA;
	s2 =	sadd.s32 s3, s2  }
0x8d: {  	s2 =	sadd.s32 s2, s16  }
0x8e: {  	[smem:$0x3FC7] =	sst s2  }
0x8f: {  	_ = 	snop  }
0x90: {  	(tm) =	ssettm $0x1  }
0x91: {  	s17 =	sld [smem:$0x3FFB];
	_ =	sdelay $0x3  }
0x92: {  	_ =	strace s17  }
0x93: {  	s2 =	sld [smem:$0x3FFC];
	_ =	sdelay $0x3  }
0x94: {  	_ =	strace s2  }
0x95: {  	s2 =	sld [smem:$0x3FFD];
	_ =	sdelay $0x3  }
0x96: {  	_ =	strace s2  }
0x97: {  	_ =	strace $0x8FFFFFFF  }
0x98: {  	s18 =	sld [smem:$0x3FDB];
	_ =	sdelay $0x1  }
0x99: {  	s19 =	simm.s32 $_scs_section_size  }
0x9a: {  	s4 =	simm.s32 $_size__tile_overlayer_lowered;
	s5 =	simm.s32 $_tile_overlayer_lowered  }
0x9b: {  	s22 =	simm.s32 $0x1BFF;
	s21 =	sshll.u32 s5, $0x1;
	s2 =	sadd.s32 s19, s18  }
0x9c: {  	s6 =	simm.s32 $0x0;
	s20 =	sshll.u32 s4, $0x1;
	s4 =	sadd.s32 s21, s2  }
0x9d: {  	[timem:s6], [sflag:s22] =	dma.local [hbm:s4], s20  }
0x9e: {  	_ =	swait.ge [sflag:s22], s20  }
0x9f: {  	s3 =	ssub.s32 $0x0, s20;
	[sflag:s22] =	ssyncset.done $0x0  }
0xa0: {  	[sflag:s22] =	ssyncadd.s32 s3;
	_ =	sdelay $0x1  }
0xa1: {  	s23 =	simm.s32 $0x1B8B  }
0xa2: {  	_ =	swait.ge [sflag:s23], $0x1  }
0xa3: {  	[sflag:s23] =	ssyncset.done $0x0  }
0xa4: {  	s25 =	simm.s32 $0x1B8E;
	s24 =	sld [smem:$0x3FFE];
	[sflag:s23] =	ssyncadd.s32 $0xFFFFFFFF  }
0xa5: {  	s26 =	simm.s32 $execute0_lowered;
	[smem:$0x3FD2] =	sst s25  }
0xa6: {  	s4 =	sshll.u32 s26, $0x1;
	_ =	strace $0x80000046;
	[dreg:$0x1] =	wrdreg $0xFFFFFFFF  }
0xa7: {  	s28 =	simm.s32 $_size_execute0_lowered;
	s2 =	sadd.s32 s2, s4;
	[dreg:$0x0] =	wrdreg $0x0  }
0xa8: {  	s4 =	sshll.u32 s28, $0x1;
	[dreg:$0x2] =	wrdreg s2  }
0xa9: {  	[dreg:$0x3] =	wrdreg s4  }
0xaa: {  	[dreg:$0x4] =	wrdreg $0xC0  }
0xab: {  	_ =	task [dreg:s6], $0x5FFFF  }
0xac: {  	[dreg:$0x1] =	wrdreg $0xFFFFFFFF  }
0xad: {  	[dreg:$0x0] =	wrdreg $0x60  }
0xae: {  	[dreg:$0x2] =	wrdreg s24  }
0xaf: {  	[dreg:$0x3] =	wrdreg $0xA8000  }
0xb0: {  	[dreg:$0x4] =	wrdreg $0x9  }
0xb1: {  	_ =	task.clear_ibuf [dreg:s6], $0x5FFFF;
	_ =	strace $0x90000046  }
0xb2: {  	s29 =	simm.s32 $0x9;
	_ =	strace $0x80000048  }
0xb3: {  	_ =	swait.ge [sflag:s29], $0x1  }
0xb4: {  	[sflag:s29] =	ssyncadd.s32 $0xFFFFFFFF  }
0xb5: {  	_ =	strace $0x90000048  }
0xb6: {  	_ =	sfence  }
0xb7: {  	s30 =	sld [smem:$0x0];
	_ =	sdelay $0x2  }
0xb8: {  	s31 =	sshll.u32 s1, $0xD;
	s1 =	sshrl.u32 s1, $0x2  }
0xb9: {  	s3 =	sand.u32 $0x4000, s31;
	s1 =	sadd.s32 s1, s30  }
0xba: {  	s0 =	sor.u32 s3, s0;
	s1 =	sshll.u32 s1, $0x11  }
0xbb: {  	s0 =	sor.u32 s1, s0  }
0xbc: {  	s0 =	sadd.s32 $0x8F2B, s0  }
0xbd: {  	[sflag:s0] =	ssyncadd.remote.s32 $0x1  }
0xbe: {  	_ =	sfence.sel $0xFFFF  }
0xbf: {  	[dreg:$0x0] =	wrdreg $0xFFFFFFFF;
	(pc) =	sbr.abs _section_cstart, $3  }
0xc0: {  	[dreg:$0x1] =	wrdreg $0xFFFFFFFF  }
0xc1: {  	_ =	task.clear_ibuf [dreg:s6], $0x2FFFF;
	_ =	strace $0x9FFFFFFF  }
0xc2: {  	(tm) =	ssettm $0x7FFFFFFF  }
0xc3: {  	_ =	shalt  }
tec
execute0_lowered:
.L_overlay_start_1:
0x0: {  	(tag) =	ssettag $0x1  }
0x1: {  	s4 =	rddreg [dreg:$0x0];
	s0 =	srdreg.scid  }
0x2: {  	s2 =	rddreg [dreg:$0x1];
	s1 =	stileid.u32  }
0x3: {  	s3 =	simm.s32 $0x0;
	s11 =	simm.s32 $0x6800;
	s12 =	simm.s32 $0x1  }
0x4: {  	s13 =	simm.s32 $0x50;
	s5 =	sand.u32 $0x1, s0;
	s0 =	rddreg [dreg:$0x2]  }
0x5: {  	s14 =	simm.s32 $0x4000;
	s7 =	smul.u32 $0x13C00, s1;
	[smem:$0x7FF] =	sst s3  }
0x6: {  	s28 =	smul.u32 $0x4F000, s1;
	s31 =	sshll.u32 s1, $0xC;
	s15 =	sshll.u32 s1, $0x6  }
0x7: {  	s6 =	smul.u32 $0x13C000, s5;
	s8 =	sshll.u32 s5, $0xB;
	_ =	strace $0x80000047  }
0x8: {  	s5 =	ssub.s32 $0x2, s5;
	s15 =	sor.u32 $0x1C01, s15;
	s8 =	sadd.s32 s8, s4  }
0x9: {  	s29 =	sshrl.u32 s28, $0x2;
	s30 =	sshrl.u32 s5, $0x1;
	s6 =	sadd.s32 s7, s6  }
0xa: {  	s10 =	ssub.s32 s5, s30;
	s8 =	sadd.s32 s31, s8;
	s6 =	sshrl.u32 s6, $0x3  }
0xb: {  	s8 =	sadd.s32 $0x400, s8;
	s9 =	sadd.s32 s6, s4;
	s4 =	sadd.s32 s29, s2  }
0xc: {  	s10 =	smax.u32 s10, $0x1;
	s5 =	sadd.s32 $0x4000, s4;
	s6 =	sadd.s32 $0x8000, s4  }
0xd: {  	v0 =	vimm.f32 $0.0e+00;
	v1 =	vimm.f32 $1.000000000e+00;
	s7 =	sadd.s32 $0xC000, s4;
	s9 =	sadd.s32 $0x10400, s9;
	s16 =	sshrl.u32 s4, $0x3  }
.LBB2_1:
0xe: {  	s17 =	simm.s32 $0x0  }
.LBB2_2:
0xf: {  	p0 =	sne.s32 s17, $0xFE00  }
.Ltmp0:
0x10: {  	_ = 	snop;
	(pc) =	sbr.rel @p0 .LBB2_2-.Ltmp0, $3  }
0x11: {  	_ =	sdelay $0x1  }
0x12: {  	s18 =	sshra.s32 s17, $0x2  }
0x13: {  	s17 =	sadd.s32 $0x200, s17;
	[tilespmem:s18+$0x6800] =	vst v0  }
0x14: {  	s17 =	simm.s32 $0x200;
	s18 =	simm.s32 $0x0  }
.LBB2_4:
0x15: {  	p0 =	sne.s32 s17, $0x9E00;
	[tilespmem:s18+$0x4000] =	vst v1;
	s18 =	smov.u32 s17;
	s17 =	sadd.s32 $0x200, s17  }
.Ltmp1:
0x16: {  	(pc) =	sbr.rel @p0 .LBB2_4-.Ltmp1, $2  }
0x17: {  	_ =	sdelay $0x2  }
0x18: {  	s18 =	sshra.s32 s18, $0x2  }
0x19: {  	[tilespmem:s18+$0x4000] =	vst v1  }
0x1a: {  	[spmem:s4] =	stream.linear.scatter [tilespmem:s11], [sflag:$0x1], $0x4000, $0x38;
	[tilespmem:$0xCF80] =	vst v63  }
0x1b: {  	_ =	swait.ge [sflag:s12], $0x4000  }
0x1c: {  	[sflag:s12] =	ssyncset.done $0x0  }
0x1d: {  	[sflag:s12] =	ssyncadd.s32 $0xFFFFC000  }
0x1e: {  	[spmem:s5] =	stream.linear.scatter [tilespmem:s11], [sflag:$0x1], $0x4000, $0x38;
	[tilespmem:$0xCF80] =	vst v63  }
0x1f: {  	_ =	swait.ge [sflag:s12], $0x4000  }
0x20: {  	[sflag:s12] =	ssyncset.done $0x0  }
0x21: {  	[sflag:s12] =	ssyncadd.s32 $0xFFFFC000  }
0x22: {  	[spmem:s6] =	stream.linear.scatter [tilespmem:s11], [sflag:$0x1], $0x4000, $0x38;
	[tilespmem:$0xCF80] =	vst v63  }
0x23: {  	_ =	swait.ge [sflag:s12], $0x4000  }
0x24: {  	[sflag:s12] =	ssyncset.done $0x0  }
0x25: {  	[sflag:s12] =	ssyncadd.s32 $0xFFFFC000  }
0x26: {  	[spmem:s7] =	stream.linear.scatter [tilespmem:s11], [sflag:$0x1], $0x4000, $0x38;
	[tilespmem:$0xCF80] =	vst v63  }
0x27: {  	_ =	swait.ge [sflag:s12], $0x4000  }
0x28: {  	[sflag:s12] =	ssyncset.done $0x0  }
0x29: {  	[sflag:s12] =	ssyncadd.s32 $0xFFFFC000  }
0x2a: {  	s17 =	simm.s32 $0x0;
	[bflag:$0x0] =	sbarrier.arrive $0xFFFF  }
0x2b: {  	[tilespmem:s17], [sflag:$0x1] =	stream.linear.gather [hbm4b:s8+s17], $0x3E80, $0x38;
	[tilespmem:$0xCF80] =	vst v63  }
0x2c: {  	_ =	swait.ge [sflag:s12], $0x3E80  }
0x2d: {  	[sflag:s12] =	ssyncset.done $0x0  }
0x2e: {  	s31 =	simm.s32 $0x0;
	[sflag:s12] =	ssyncadd.s32 $0xFFFFC180  }
0x2f: {  	[spmem:s2] =	stream.indirect.scatter.add.f32 [tilespmem:s14], [sflag:$0x1], $0x10, s31, s13, $0xb8;
	[tilespmem:$0xCF80] =	vst v63  }
0x30: {  	_ =	swait.ge [sflag:s12], $0x500  }
0x31: {  	s17 =	simm.s32 $0x200;
	[sflag:s12] =	ssyncset.done $0x0  }
.LBB2_6:
0x32: {  	s18 =	sshra.s32 s17, $0x2;
	[sflag:s12] =	ssyncadd.s32 $0xFFFFFB00;
	p0 =	sne.s32 s17, $0xF800  }
0x33: {  	[spmem:s2] =	stream.indirect.scatter.add.f32 [tilespmem:s14], [sflag:$0x1], $0x10, s18, s13, $0xb8;
	[tilespmem:$0xCF80] =	vst v63  }
.Ltmp2:
0x34: {  	_ = 	snop;
	(pc) =	sbr.rel @p0 .LBB2_6-.Ltmp2, $4  }
0x35: {  	_ = 	snop  }
0x36: {  	s17 =	sadd.s32 $0x200, s17  }
0x37: {  	_ =	swait.ge [sflag:s12], $0x500  }
0x38: {  	[sflag:s12] =	ssyncset.done $0x0  }
0x39: {  	s3 =	sadd.s32 $0x1, s3  }
0x3a: {  	[sflag:s12] =	ssyncadd.s32 $0xFFFFFB00;
	p0 =	sne.s32 s3, s10  }
.Ltmp3:
0x3b: {  	[bflag:$0x0] =	sbarrier.arrive $0xFFFF;
	(pc) =	sbr.rel @p0 .LBB2_1-.Ltmp3, $4  }
0x3c: {  	[hbm:s9], [sflag:s15] =	dma.local [spmem:s16], $0x2780  }
0x3d: {  	_ =	swait.ge [sflag:s12], $0x2780  }
0x3e: {  	[sflag:s12] =	ssyncset.done $0x0  }
0x3f: {  	[sflag:s12] =	ssyncadd.s32 $0xFFFFD880  }
0x40: {  	_ =	sfence.sel $0x180000  }
0x41: {  	[bflag:$0x0] =	sbarrier.arrive $0xFFFF  }
0x42: {  	p0 =	sne.s32 s1, $0x0;
	_ =	strace $0x90000047  }
0x43: {  	s0 =	sadd.s32 @!p0 $0x100000, s0;
	[bflag:$0x2] =	sbarrier.arrive $0xFFFF  }
0x44: {  	[sflag:s0] =	ssyncadd.tile.s32 @!p0 $0x1;
	_ =	shalt  }
.Lfunc_end2:
_tile_overlayer_lowered:
.L_overlay_start_2:
0x45: {  	(tag) =	ssettag $0x2  }
0x46: {  	s0 =	rddreg [dreg:$0x0];
	s2 =	stileid.u32  }
0x47: {  	s1 =	rddreg [dreg:$0x1];
	p0 =	sne.s32 s2, $0x0  }
0x48: {  	s3 =	rddreg [dreg:$0x2];
	[bflag:$0x3] =	sbarrier.arrive $0xFFFF;
	s2 =	simm.s32 @!p0 $0x1C01  }
0x49: {  	[timem:s3], [sflag:s2] =	dma.local @!p0 [hbm:s0], s1  }
0x4a: {  	s0 =	simm.s32 @!p0 $0x1  }
0x4b: {  	_ =	swait.ge @!p0 [sflag:s0], s1  }
0x4c: {  	s1 =	ssub.s32 @!p0 $0x0, s1;
	[sflag:s0] =	ssyncset.done @!p0 $0x0  }
0x4d: {  	[sflag:s0] =	ssyncadd.s32 @!p0 s1  }
0x4e: {  	[bflag:$0x3] =	sbarrier.arrive $0xFFFF  }
0x4f: {  	_ =	shalt  }

</sc_bundles>
